<compile_context>
chip_gen: v7x
topology: tpu7x:2x2x1
jax: 0.10.2.dev20260603
libtpu: 0.0.44.dev20260713+nightly
codegen_flags: <defaults>
</compile_context>

<pallas_src>
import jax
import jax.numpy as jnp
from jax import lax
from jax.experimental import pallas as pl
from jax.experimental.pallas import tpu as pltpu
from jax.experimental.pallas import tpu_sc as plsc

BATCH = 16384
D_MODEL = 128
DIM = 512

_N_TILES = 32
_B_PER_W = BATCH // _N_TILES
_GATHER_WINDOW = 128
_NWIN = _B_PER_W // _GATHER_WINDOW

_vector_mesh = plsc.VectorSubcoreMesh(
    core_axis_name="core", subcore_axis_name="subcore"
)


@pl.kernel(
    out_type=jax.ShapeDtypeStruct((BATCH, D_MODEL), jnp.float32),
    mesh=_vector_mesh,
    scratch_types=[
        pltpu.VMEM((_NWIN, _GATHER_WINDOW), jnp.int32),
        pltpu.VMEM((_B_PER_W, D_MODEL), jnp.float32),
    ] + [pltpu.SemaphoreType.DMA] * (_NWIN + 1),
)
def _sc_gather_kernel(table_hbm, i_hbm, o_hbm, idx_v, rows_v,
                      g0, g1, g2, g3, wsem):
    wid = lax.axis_index("subcore") * 2 + lax.axis_index("core")
    base = wid * _B_PER_W
    gsems = (g0, g1, g2, g3)
    for j in range(_NWIN):
        pltpu.sync_copy(
            i_hbm.at[pl.ds(base + j * _GATHER_WINDOW, _GATHER_WINDOW)],
            idx_v.at[j],
        )
    copies = [
        pltpu.async_copy(
            table_hbm.at[idx_v.at[j]],
            rows_v.at[pl.ds(j * _GATHER_WINDOW, _GATHER_WINDOW)],
            gsems[j],
        )
        for j in range(_NWIN)
    ]
    writes = []
    for j in range(_NWIN):
        copies[j].wait()
        writes.append(pltpu.async_copy(
            rows_v.at[pl.ds(j * _GATHER_WINDOW, _GATHER_WINDOW)],
            o_hbm.at[pl.ds(base + j * _GATHER_WINDOW, _GATHER_WINDOW)],
            wsem,
        ))
    for w in writes:
        w.wait()


_MLP_BLK = 4096


def _mlp_body(emb_ref, w1_ref, b1_ref, w2_ref, b2_ref, out_ref):
    h = jnp.dot(emb_ref[...], w1_ref[...],
                preferred_element_type=jnp.float32) + b1_ref[...]
    h = h * (0.5 + 0.5 * jnp.tanh(0.5 * h))
    out_ref[...] = jnp.dot(h, w2_ref[...],
                           preferred_element_type=jnp.float32) + b2_ref[...]


_mlp = pl.pallas_call(
    _mlp_body,
    grid=(BATCH // _MLP_BLK,),
    in_specs=[
        pl.BlockSpec((_MLP_BLK, D_MODEL), lambda i: (i, 0)),
        pl.BlockSpec((D_MODEL, DIM), lambda i: (0, 0)),
        pl.BlockSpec((1, DIM), lambda i: (0, 0)),
        pl.BlockSpec((DIM, DIM), lambda i: (0, 0)),
        pl.BlockSpec((1, DIM), lambda i: (0, 0)),
    ],
    out_specs=pl.BlockSpec((_MLP_BLK, DIM), lambda i: (i, 0)),
    out_shape=jax.ShapeDtypeStruct((BATCH, DIM), jnp.float32),
    compiler_params=pltpu.CompilerParams(
        dimension_semantics=("parallel",)),
)


def kernel(t, table, W1, b1, W2, b2):
    emb = _sc_gather_kernel(table, t.astype(jnp.int32))
    return _mlp(emb, W1, b1.reshape(1, DIM), W2, b2.reshape(1, DIM))

# --- scband reference (transcript-rebuilt; emitter-appended) ---
"""Pipeline reference for scband-conditional-embedding-88570815578258 (READ-ONLY COPY).

The authoritative reference and input builder live on the scoring server;
editing this copy changes nothing except your own understanding.
"""

import jax, jax.numpy as jnp
import numpy as np

NUM_LABELS = 100000
D_MODEL = 128
DIM = 512
BATCH = 16384

def setup_inputs(seed: int = 0) -> dict:
    key = jax.random.key(seed)
    k1, k2, k3, k4, k5, k6 = jax.random.split(key, 6)
    t = jax.random.randint(k1, (BATCH,), 0, NUM_LABELS + 1, dtype=jnp.int64 if jax.config.jax_enable_x64 else jnp.int32)
    table = jax.random.normal(k2, (NUM_LABELS + 1, D_MODEL), dtype=jnp.float32)
    table = table.at[0].set(0.0)  # padding_idx=0
    lim1 = 1.0 / np.sqrt(D_MODEL)
    W1 = jax.random.uniform(k3, (D_MODEL, DIM), minval=-lim1, maxval=lim1, dtype=jnp.float32)
    b1 = jax.random.uniform(k4, (DIM,), minval=-lim1, maxval=lim1, dtype=jnp.float32)
    lim2 = 1.0 / np.sqrt(DIM)
    W2 = jax.random.uniform(k5, (DIM, DIM), minval=-lim2, maxval=lim2, dtype=jnp.float32)
    b2 = jax.random.uniform(k6, (DIM,), minval=-lim2, maxval=lim2, dtype=jnp.float32)
    return {"t": t, "table": table, "W1": W1, "b1": b1, "W2": W2, "b2": b2}

def reference(t, table, W1, b1, W2, b2):
    # nn.Embedding with padding_idx=0: row 0 is zeros and receives no gradient
    emb = jnp.take(table, t, axis=0)
    emb = jnp.where((t != 0)[:, None], emb, 0.0)
    h = emb @ W1 + b1
    h = h * jax.nn.sigmoid(h)  # Swish
    out = h @ W2 + b2
    return out

if __name__ == "__main__":
    import jax
    _d = setup_inputs()
    print(jax.jit(kernel)(*tuple(_d.values())))

</pallas_src>

<mosaic_0001>
#map = affine_map<(d0, d1) -> (0, 0)>
#map1 = affine_map<(d0, d1) -> (0)>
module attributes {stable_mosaic.version = 14 : i64} {
  func.func @_sc_gather_kernel(%arg0: i32, %arg1: i32, %arg2: memref<100001x128xf32, #tpu.memory_space<hbm>>, %arg3: memref<16384xi32, #tpu.memory_space<hbm>>, %arg4: memref<16384x128xf32, #tpu.memory_space<hbm>>, %arg5: memref<4x128xi32, #tpu.memory_space<vmem>>, %arg6: memref<512x128xf32, #tpu.memory_space<vmem>>, %arg7: memref<!tpu.dma_semaphore, #tpu.memory_space<semaphore_mem>>, %arg8: memref<!tpu.dma_semaphore, #tpu.memory_space<semaphore_mem>>, %arg9: memref<!tpu.dma_semaphore, #tpu.memory_space<semaphore_mem>>, %arg10: memref<!tpu.dma_semaphore, #tpu.memory_space<semaphore_mem>>, %arg11: memref<!tpu.dma_semaphore, #tpu.memory_space<semaphore_mem>>) attributes {dimension_semantics = [#tpu.dimension_semantics<core_parallel>, #tpu.dimension_semantics<subcore_parallel>], iteration_bounds = array<i64: 2, 16>, scalar_prefetch = 0 : i64, scratch_operands = 7 : i64, tpu.core_type = #tpu.core_type<sc_vector_subcore>, window_params = [{transform_indices = #map}, {transform_indices = #map1}, {transform_indices = #map}]} {
    %mul3A = arith.constant 2 : i32
    %mul3A_0 = arith.muli %arg1, %mul3A : i32
    %add3A = arith.addi %mul3A_0, %arg0 : i32
    %mul3A_1 = arith.constant 512 : i32
    %mul3A_2 = arith.muli %add3A, %mul3A_1 : i32
    %add3A_3 = arith.constant 0 : i32
    %add3A_4 = arith.addi %mul3A_2, %add3A_3 : i32
    %run_scoped3A = arith.constant 0 : i32
    "tpu.region"() ({
      %run_scoped3A_180 = tpu.sem_alloc : memref<!tpu.dma_semaphore, #tpu.memory_space<semaphore_mem>>
      %dma_start3A_181 = arith.constant 0 : i32
      %dma_start3A_182 = tpu.memref_slice %arg5[%run_scoped3A, %dma_start3A_181] : memref<4x128xi32, #tpu.memory_space<vmem>> -> memref<1x128xi32, #tpu.memory_space<vmem>>
      %dma_start3A_183 = tpu.memref_squeeze %dma_start3A_182 : memref<1x128xi32, #tpu.memory_space<vmem>> -> memref<128xi32, #tpu.memory_space<vmem>>
      %dma_start3A_184 = tpu.memref_slice %arg3[%add3A_4] : memref<16384xi32, #tpu.memory_space<hbm>> -> memref<128xi32, #tpu.memory_space<hbm>>
      %dma_start3A_185 = arith.constant 0 : i32
      %dma_start3A_186 = tpu.memref_slice %arg5[%run_scoped3A, %dma_start3A_185] : memref<4x128xi32, #tpu.memory_space<vmem>> -> memref<1x128xi32, #tpu.memory_space<vmem>>
      %dma_start3A_187 = tpu.memref_squeeze %dma_start3A_186 : memref<1x128xi32, #tpu.memory_space<vmem>> -> memref<128xi32, #tpu.memory_space<vmem>>
      %dma_start3A_188 = tpu.memref_slice %arg3[%add3A_4] : memref<16384xi32, #tpu.memory_space<hbm>> -> memref<128xi32, #tpu.memory_space<hbm>>
      tpu.enqueue_dma source(%dma_start3A_188 : memref<128xi32, #tpu.memory_space<hbm>>) target(%dma_start3A_187 : memref<128xi32, #tpu.memory_space<vmem>>) target_semaphore(%run_scoped3A_180 : memref<!tpu.dma_semaphore, #tpu.memory_space<semaphore_mem>>)
      %dma_wait3A_189 = arith.constant 0 : i32
      %dma_wait3A_190 = tpu.memref_slice %arg5[%run_scoped3A, %dma_wait3A_189] : memref<4x128xi32, #tpu.memory_space<vmem>> -> memref<1x128xi32, #tpu.memory_space<vmem>>
      %dma_wait3A_191 = tpu.memref_squeeze %dma_wait3A_190 : memref<1x128xi32, #tpu.memory_space<vmem>> -> memref<128xi32, #tpu.memory_space<vmem>>
      %dma_wait3A_192 = tpu.memref_slice %arg3[%add3A_4] : memref<16384xi32, #tpu.memory_space<hbm>> -> memref<128xi32, #tpu.memory_space<hbm>>
      %dma_wait3A_193 = arith.constant 0 : i32
      %dma_wait3A_194 = tpu.memref_slice %arg5[%run_scoped3A, %dma_wait3A_193] : memref<4x128xi32, #tpu.memory_space<vmem>> -> memref<1x128xi32, #tpu.memory_space<vmem>>
      %dma_wait3A_195 = tpu.memref_squeeze %dma_wait3A_194 : memref<1x128xi32, #tpu.memory_space<vmem>> -> memref<128xi32, #tpu.memory_space<vmem>>
      %dma_wait3A_196 = tpu.memref_slice %arg3[%add3A_4] : memref<16384xi32, #tpu.memory_space<hbm>> -> memref<128xi32, #tpu.memory_space<hbm>>
      tpu.wait_dma2 semaphore(%run_scoped3A_180 : memref<!tpu.dma_semaphore, #tpu.memory_space<semaphore_mem>>) src(%dma_wait3A_196 : memref<128xi32, #tpu.memory_space<hbm>>) dst(%dma_wait3A_195 : memref<128xi32, #tpu.memory_space<vmem>>)
      tpu.yield
    }) : () -> ()
    %add3A_5 = arith.constant 128 : i32
    %add3A_6 = arith.addi %mul3A_2, %add3A_5 : i32
    %run_scoped3A_7 = arith.constant 1 : i32
    "tpu.region"() ({
      %run_scoped3A_180 = tpu.sem_alloc : memref<!tpu.dma_semaphore, #tpu.memory_space<semaphore_mem>>
      %dma_start3A_181 = arith.constant 0 : i32
      %dma_start3A_182 = tpu.memref_slice %arg5[%run_scoped3A_7, %dma_start3A_181] : memref<4x128xi32, #tpu.memory_space<vmem>> -> memref<1x128xi32, #tpu.memory_space<vmem>>
      %dma_start3A_183 = tpu.memref_squeeze %dma_start3A_182 : memref<1x128xi32, #tpu.memory_space<vmem>> -> memref<128xi32, #tpu.memory_space<vmem>>
      %dma_start3A_184 = tpu.memref_slice %arg3[%add3A_6] : memref<16384xi32, #tpu.memory_space<hbm>> -> memref<128xi32, #tpu.memory_space<hbm>>
      %dma_start3A_185 = arith.constant 0 : i32
      %dma_start3A_186 = tpu.memref_slice %arg5[%run_scoped3A_7, %dma_start3A_185] : memref<4x128xi32, #tpu.memory_space<vmem>> -> memref<1x128xi32, #tpu.memory_space<vmem>>
      %dma_start3A_187 = tpu.memref_squeeze %dma_start3A_186 : memref<1x128xi32, #tpu.memory_space<vmem>> -> memref<128xi32, #tpu.memory_space<vmem>>
      %dma_start3A_188 = tpu.memref_slice %arg3[%add3A_6] : memref<16384xi32, #tpu.memory_space<hbm>> -> memref<128xi32, #tpu.memory_space<hbm>>
      tpu.enqueue_dma source(%dma_start3A_188 : memref<128xi32, #tpu.memory_space<hbm>>) target(%dma_start3A_187 : memref<128xi32, #tpu.memory_space<vmem>>) target_semaphore(%run_scoped3A_180 : memref<!tpu.dma_semaphore, #tpu.memory_space<semaphore_mem>>)
      %dma_wait3A_189 = arith.constant 0 : i32
      %dma_wait3A_190 = tpu.memref_slice %arg5[%run_scoped3A_7, %dma_wait3A_189] : memref<4x128xi32, #tpu.memory_space<vmem>> -> memref<1x128xi32, #tpu.memory_space<vmem>>
      %dma_wait3A_191 = tpu.memref_squeeze %dma_wait3A_190 : memref<1x128xi32, #tpu.memory_space<vmem>> -> memref<128xi32, #tpu.memory_space<vmem>>
      %dma_wait3A_192 = tpu.memref_slice %arg3[%add3A_6] : memref<16384xi32, #tpu.memory_space<hbm>> -> memref<128xi32, #tpu.memory_space<hbm>>
      %dma_wait3A_193 = arith.constant 0 : i32
      %dma_wait3A_194 = tpu.memref_slice %arg5[%run_scoped3A_7, %dma_wait3A_193] : memref<4x128xi32, #tpu.memory_space<vmem>> -> memref<1x128xi32, #tpu.memory_space<vmem>>
      %dma_wait3A_195 = tpu.memref_squeeze %dma_wait3A_194 : memref<1x128xi32, #tpu.memory_space<vmem>> -> memref<128xi32, #tpu.memory_space<vmem>>
      %dma_wait3A_196 = tpu.memref_slice %arg3[%add3A_6] : memref<16384xi32, #tpu.memory_space<hbm>> -> memref<128xi32, #tpu.memory_space<hbm>>
      tpu.wait_dma2 semaphore(%run_scoped3A_180 : memref<!tpu.dma_semaphore, #tpu.memory_space<semaphore_mem>>) src(%dma_wait3A_196 : memref<128xi32, #tpu.memory_space<hbm>>) dst(%dma_wait3A_195 : memref<128xi32, #tpu.memory_space<vmem>>)
      tpu.yield
    }) : () -> ()
    %add3A_8 = arith.constant 256 : i32
    %add3A_9 = arith.addi %mul3A_2, %add3A_8 : i32
    %run_scoped3A_10 = arith.constant 2 : i32
    "tpu.region"() ({
      %run_scoped3A_180 = tpu.sem_alloc : memref<!tpu.dma_semaphore, #tpu.memory_space<semaphore_mem>>
      %dma_start3A_181 = arith.constant 0 : i32
      %dma_start3A_182 = tpu.memref_slice %arg5[%run_scoped3A_10, %dma_start3A_181] : memref<4x128xi32, #tpu.memory_space<vmem>> -> memref<1x128xi32, #tpu.memory_space<vmem>>
      %dma_start3A_183 = tpu.memref_squeeze %dma_start3A_182 : memref<1x128xi32, #tpu.memory_space<vmem>> -> memref<128xi32, #tpu.memory_space<vmem>>
      %dma_start3A_184 = tpu.memref_slice %arg3[%add3A_9] : memref<16384xi32, #tpu.memory_space<hbm>> -> memref<128xi32, #tpu.memory_space<hbm>>
      %dma_start3A_185 = arith.constant 0 : i32
      %dma_start3A_186 = tpu.memref_slice %arg5[%run_scoped3A_10, %dma_start3A_185] : memref<4x128xi32, #tpu.memory_space<vmem>> -> memref<1x128xi32, #tpu.memory_space<vmem>>
      %dma_start3A_187 = tpu.memref_squeeze %dma_start3A_186 : memref<1x128xi32, #tpu.memory_space<vmem>> -> memref<128xi32, #tpu.memory_space<vmem>>
      %dma_start3A_188 = tpu.memref_slice %arg3[%add3A_9] : memref<16384xi32, #tpu.memory_space<hbm>> -> memref<128xi32, #tpu.memory_space<hbm>>
      tpu.enqueue_dma source(%dma_start3A_188 : memref<128xi32, #tpu.memory_space<hbm>>) target(%dma_start3A_187 : memref<128xi32, #tpu.memory_space<vmem>>) target_semaphore(%run_scoped3A_180 : memref<!tpu.dma_semaphore, #tpu.memory_space<semaphore_mem>>)
      %dma_wait3A_189 = arith.constant 0 : i32
      %dma_wait3A_190 = tpu.memref_slice %arg5[%run_scoped3A_10, %dma_wait3A_189] : memref<4x128xi32, #tpu.memory_space<vmem>> -> memref<1x128xi32, #tpu.memory_space<vmem>>
      %dma_wait3A_191 = tpu.memref_squeeze %dma_wait3A_190 : memref<1x128xi32, #tpu.memory_space<vmem>> -> memref<128xi32, #tpu.memory_space<vmem>>
      %dma_wait3A_192 = tpu.memref_slice %arg3[%add3A_9] : memref<16384xi32, #tpu.memory_space<hbm>> -> memref<128xi32, #tpu.memory_space<hbm>>
      %dma_wait3A_193 = arith.constant 0 : i32
      %dma_wait3A_194 = tpu.memref_slice %arg5[%run_scoped3A_10, %dma_wait3A_193] : memref<4x128xi32, #tpu.memory_space<vmem>> -> memref<1x128xi32, #tpu.memory_space<vmem>>
      %dma_wait3A_195 = tpu.memref_squeeze %dma_wait3A_194 : memref<1x128xi32, #tpu.memory_space<vmem>> -> memref<128xi32, #tpu.memory_space<vmem>>
      %dma_wait3A_196 = tpu.memref_slice %arg3[%add3A_9] : memref<16384xi32, #tpu.memory_space<hbm>> -> memref<128xi32, #tpu.memory_space<hbm>>
      tpu.wait_dma2 semaphore(%run_scoped3A_180 : memref<!tpu.dma_semaphore, #tpu.memory_space<semaphore_mem>>) src(%dma_wait3A_196 : memref<128xi32, #tpu.memory_space<hbm>>) dst(%dma_wait3A_195 : memref<128xi32, #tpu.memory_space<vmem>>)
      tpu.yield
    }) : () -> ()
    %add3A_11 = arith.constant 384 : i32
    %add3A_12 = arith.addi %mul3A_2, %add3A_11 : i32
    %run_scoped3A_13 = arith.constant 3 : i32
    "tpu.region"() ({
      %run_scoped3A_180 = tpu.sem_alloc : memref<!tpu.dma_semaphore, #tpu.memory_space<semaphore_mem>>
      %dma_start3A_181 = arith.constant 0 : i32
      %dma_start3A_182 = tpu.memref_slice %arg5[%run_scoped3A_13, %dma_start3A_181] : memref<4x128xi32, #tpu.memory_space<vmem>> -> memref<1x128xi32, #tpu.memory_space<vmem>>
      %dma_start3A_183 = tpu.memref_squeeze %dma_start3A_182 : memref<1x128xi32, #tpu.memory_space<vmem>> -> memref<128xi32, #tpu.memory_space<vmem>>
      %dma_start3A_184 = tpu.memref_slice %arg3[%add3A_12] : memref<16384xi32, #tpu.memory_space<hbm>> -> memref<128xi32, #tpu.memory_space<hbm>>
      %dma_start3A_185 = arith.constant 0 : i32
      %dma_start3A_186 = tpu.memref_slice %arg5[%run_scoped3A_13, %dma_start3A_185] : memref<4x128xi32, #tpu.memory_space<vmem>> -> memref<1x128xi32, #tpu.memory_space<vmem>>
      %dma_start3A_187 = tpu.memref_squeeze %dma_start3A_186 : memref<1x128xi32, #tpu.memory_space<vmem>> -> memref<128xi32, #tpu.memory_space<vmem>>
      %dma_start3A_188 = tpu.memref_slice %arg3[%add3A_12] : memref<16384xi32, #tpu.memory_space<hbm>> -> memref<128xi32, #tpu.memory_space<hbm>>
      tpu.enqueue_dma source(%dma_start3A_188 : memref<128xi32, #tpu.memory_space<hbm>>) target(%dma_start3A_187 : memref<128xi32, #tpu.memory_space<vmem>>) target_semaphore(%run_scoped3A_180 : memref<!tpu.dma_semaphore, #tpu.memory_space<semaphore_mem>>)
      %dma_wait3A_189 = arith.constant 0 : i32
      %dma_wait3A_190 = tpu.memref_slice %arg5[%run_scoped3A_13, %dma_wait3A_189] : memref<4x128xi32, #tpu.memory_space<vmem>> -> memref<1x128xi32, #tpu.memory_space<vmem>>
      %dma_wait3A_191 = tpu.memref_squeeze %dma_wait3A_190 : memref<1x128xi32, #tpu.memory_space<vmem>> -> memref<128xi32, #tpu.memory_space<vmem>>
      %dma_wait3A_192 = tpu.memref_slice %arg3[%add3A_12] : memref<16384xi32, #tpu.memory_space<hbm>> -> memref<128xi32, #tpu.memory_space<hbm>>
      %dma_wait3A_193 = arith.constant 0 : i32
      %dma_wait3A_194 = tpu.memref_slice %arg5[%run_scoped3A_13, %dma_wait3A_193] : memref<4x128xi32, #tpu.memory_space<vmem>> -> memref<1x128xi32, #tpu.memory_space<vmem>>
      %dma_wait3A_195 = tpu.memref_squeeze %dma_wait3A_194 : memref<1x128xi32, #tpu.memory_space<vmem>> -> memref<128xi32, #tpu.memory_space<vmem>>
      %dma_wait3A_196 = tpu.memref_slice %arg3[%add3A_12] : memref<16384xi32, #tpu.memory_space<hbm>> -> memref<128xi32, #tpu.memory_space<hbm>>
      tpu.wait_dma2 semaphore(%run_scoped3A_180 : memref<!tpu.dma_semaphore, #tpu.memory_space<semaphore_mem>>) src(%dma_wait3A_196 : memref<128xi32, #tpu.memory_space<hbm>>) dst(%dma_wait3A_195 : memref<128xi32, #tpu.memory_space<vmem>>)
      tpu.yield
    }) : () -> ()
    %dma_start3A = arith.constant 0 : i32
    %dma_start3A_14 = arith.constant 0 : i32
    %dma_start3A_15 = arith.constant 0 : i32
    %dma_start3A_16 = tpu.memref_slice %arg6[%dma_start3A_14, %dma_start3A_15] : memref<512x128xf32, #tpu.memory_space<vmem>> -> memref<128x128xf32, #tpu.memory_space<vmem>>
    %dma_start3A_17 = arith.constant 0 : i32
    %dma_start3A_18 = tpu.memref_slice %arg5[%dma_start3A, %dma_start3A_17] : memref<4x128xi32, #tpu.memory_space<vmem>> -> memref<1x128xi32, #tpu.memory_space<vmem>>
    %dma_start3A_19 = tpu.memref_squeeze %dma_start3A_18 : memref<1x128xi32, #tpu.memory_space<vmem>> -> memref<128xi32, #tpu.memory_space<vmem>>
    %dma_start3A_20 = arith.constant 0 : i32
    %dma_start3A_21 = arith.constant 0 : i32
    %dma_start3A_22 = tpu.memref_slice %arg2[%dma_start3A_20, %dma_start3A_21] : memref<100001x128xf32, #tpu.memory_space<hbm>> -> memref<100001x128xf32, #tpu.memory_space<hbm>>
    tpu.enqueue_indirect_dma source(%dma_start3A_22 : memref<100001x128xf32, #tpu.memory_space<hbm>>) target(%dma_start3A_16 : memref<128x128xf32, #tpu.memory_space<vmem>>) offsets(%dma_start3A_19 : memref<128xi32, #tpu.memory_space<vmem>>) semaphore(%arg7 : memref<!tpu.dma_semaphore, #tpu.memory_space<semaphore_mem>>)
    %dma_start3A_23 = arith.constant 1 : i32
    %dma_start3A_24 = arith.constant 128 : i32
    %dma_start3A_25 = arith.constant 0 : i32
    %dma_start3A_26 = tpu.memref_slice %arg6[%dma_start3A_24, %dma_start3A_25] : memref<512x128xf32, #tpu.memory_space<vmem>> -> memref<128x128xf32, #tpu.memory_space<vmem>>
    %dma_start3A_27 = arith.constant 0 : i32
    %dma_start3A_28 = tpu.memref_slice %arg5[%dma_start3A_23, %dma_start3A_27] : memref<4x128xi32, #tpu.memory_space<vmem>> -> memref<1x128xi32, #tpu.memory_space<vmem>>
    %dma_start3A_29 = tpu.memref_squeeze %dma_start3A_28 : memref<1x128xi32, #tpu.memory_space<vmem>> -> memref<128xi32, #tpu.memory_space<vmem>>
    %dma_start3A_30 = arith.constant 0 : i32
    %dma_start3A_31 = arith.constant 0 : i32
    %dma_start3A_32 = tpu.memref_slice %arg2[%dma_start3A_30, %dma_start3A_31] : memref<100001x128xf32, #tpu.memory_space<hbm>> -> memref<100001x128xf32, #tpu.memory_space<hbm>>
    tpu.enqueue_indirect_dma source(%dma_start3A_32 : memref<100001x128xf32, #tpu.memory_space<hbm>>) target(%dma_start3A_26 : memref<128x128xf32, #tpu.memory_space<vmem>>) offsets(%dma_start3A_29 : memref<128xi32, #tpu.memory_space<vmem>>) semaphore(%arg8 : memref<!tpu.dma_semaphore, #tpu.memory_space<semaphore_mem>>)
    %dma_start3A_33 = arith.constant 2 : i32
    %dma_start3A_34 = arith.constant 256 : i32
    %dma_start3A_35 = arith.constant 0 : i32
    %dma_start3A_36 = tpu.memref_slice %arg6[%dma_start3A_34, %dma_start3A_35] : memref<512x128xf32, #tpu.memory_space<vmem>> -> memref<128x128xf32, #tpu.memory_space<vmem>>
    %dma_start3A_37 = arith.constant 0 : i32
    %dma_start3A_38 = tpu.memref_slice %arg5[%dma_start3A_33, %dma_start3A_37] : memref<4x128xi32, #tpu.memory_space<vmem>> -> memref<1x128xi32, #tpu.memory_space<vmem>>
    %dma_start3A_39 = tpu.memref_squeeze %dma_start3A_38 : memref<1x128xi32, #tpu.memory_space<vmem>> -> memref<128xi32, #tpu.memory_space<vmem>>
    %dma_start3A_40 = arith.constant 0 : i32
    %dma_start3A_41 = arith.constant 0 : i32
    %dma_start3A_42 = tpu.memref_slice %arg2[%dma_start3A_40, %dma_start3A_41] : memref<100001x128xf32, #tpu.memory_space<hbm>> -> memref<100001x128xf32, #tpu.memory_space<hbm>>
    tpu.enqueue_indirect_dma source(%dma_start3A_42 : memref<100001x128xf32, #tpu.memory_space<hbm>>) target(%dma_start3A_36 : memref<128x128xf32, #tpu.memory_space<vmem>>) offsets(%dma_start3A_39 : memref<128xi32, #tpu.memory_space<vmem>>) semaphore(%arg9 : memref<!tpu.dma_semaphore, #tpu.memory_space<semaphore_mem>>)
    %dma_start3A_43 = arith.constant 3 : i32
    %dma_start3A_44 = arith.constant 384 : i32
    %dma_start3A_45 = arith.constant 0 : i32
    %dma_start3A_46 = tpu.memref_slice %arg6[%dma_start3A_44, %dma_start3A_45] : memref<512x128xf32, #tpu.memory_space<vmem>> -> memref<128x128xf32, #tpu.memory_space<vmem>>
    %dma_start3A_47 = arith.constant 0 : i32
    %dma_start3A_48 = tpu.memref_slice %arg5[%dma_start3A_43, %dma_start3A_47] : memref<4x128xi32, #tpu.memory_space<vmem>> -> memref<1x128xi32, #tpu.memory_space<vmem>>
    %dma_start3A_49 = tpu.memref_squeeze %dma_start3A_48 : memref<1x128xi32, #tpu.memory_space<vmem>> -> memref<128xi32, #tpu.memory_space<vmem>>
    %dma_start3A_50 = arith.constant 0 : i32
    %dma_start3A_51 = arith.constant 0 : i32
    %dma_start3A_52 = tpu.memref_slice %arg2[%dma_start3A_50, %dma_start3A_51] : memref<100001x128xf32, #tpu.memory_space<hbm>> -> memref<100001x128xf32, #tpu.memory_space<hbm>>
    tpu.enqueue_indirect_dma source(%dma_start3A_52 : memref<100001x128xf32, #tpu.memory_space<hbm>>) target(%dma_start3A_46 : memref<128x128xf32, #tpu.memory_space<vmem>>) offsets(%dma_start3A_49 : memref<128xi32, #tpu.memory_space<vmem>>) semaphore(%arg10 : memref<!tpu.dma_semaphore, #tpu.memory_space<semaphore_mem>>)
    %dma_wait3A = arith.constant 0 : i32
    %dma_wait3A_53 = arith.constant 0 : i32
    %dma_wait3A_54 = arith.constant 0 : i32
    %dma_wait3A_55 = tpu.memref_slice %arg6[%dma_wait3A_53, %dma_wait3A_54] : memref<512x128xf32, #tpu.memory_space<vmem>> -> memref<128x128xf32, #tpu.memory_space<vmem>>
    %dma_wait3A_56 = arith.constant 0 : i32
    %dma_wait3A_57 = tpu.memref_slice %arg5[%dma_wait3A, %dma_wait3A_56] : memref<4x128xi32, #tpu.memory_space<vmem>> -> memref<1x128xi32, #tpu.memory_space<vmem>>
    %dma_wait3A_58 = tpu.memref_squeeze %dma_wait3A_57 : memref<1x128xi32, #tpu.memory_space<vmem>> -> memref<128xi32, #tpu.memory_space<vmem>>
    %dma_wait3A_59 = arith.constant 0 : i32
    %dma_wait3A_60 = arith.constant 0 : i32
    %dma_wait3A_61 = tpu.memref_slice %arg2[%dma_wait3A_59, %dma_wait3A_60] : memref<100001x128xf32, #tpu.memory_space<hbm>> -> memref<100001x128xf32, #tpu.memory_space<hbm>>
    tpu.wait_indirect_dma semaphore(%arg7 : memref<!tpu.dma_semaphore, #tpu.memory_space<semaphore_mem>>) src(%dma_wait3A_61 : memref<100001x128xf32, #tpu.memory_space<hbm>>) dst(%dma_wait3A_55 : memref<128x128xf32, #tpu.memory_space<vmem>>)
    %add3A_62 = arith.constant 0 : i32
    %add3A_63 = arith.addi %mul3A_2, %add3A_62 : i32
    %dma_start3A_64 = arith.constant 0 : i32
    %dma_start3A_65 = arith.constant 0 : i32
    %dma_start3A_66 = tpu.memref_slice %arg6[%dma_start3A_64, %dma_start3A_65] : memref<512x128xf32, #tpu.memory_space<vmem>> -> memref<128x128xf32, #tpu.memory_space<vmem>>
    %dma_start3A_67 = arith.constant 0 : i32
    %dma_start3A_68 = tpu.memref_slice %arg4[%add3A_63, %dma_start3A_67] : memref<16384x128xf32, #tpu.memory_space<hbm>> -> memref<128x128xf32, #tpu.memory_space<hbm>>
    %dma_start3A_69 = arith.constant 0 : i32
    %dma_start3A_70 = tpu.memref_slice %arg4[%add3A_63, %dma_start3A_69] : memref<16384x128xf32, #tpu.memory_space<hbm>> -> memref<128x128xf32, #tpu.memory_space<hbm>>
    %dma_start3A_71 = arith.constant 0 : i32
    %dma_start3A_72 = arith.constant 0 : i32
    %dma_start3A_73 = tpu.memref_slice %arg6[%dma_start3A_71, %dma_start3A_72] : memref<512x128xf32, #tpu.memory_space<vmem>> -> memref<128x128xf32, #tpu.memory_space<vmem>>
    tpu.enqueue_dma source(%dma_start3A_73 : memref<128x128xf32, #tpu.memory_space<vmem>>) target(%dma_start3A_70 : memref<128x128xf32, #tpu.memory_space<hbm>>) target_semaphore(%arg11 : memref<!tpu.dma_semaphore, #tpu.memory_space<semaphore_mem>>)
    %dma_wait3A_74 = arith.constant 1 : i32
    %dma_wait3A_75 = arith.constant 128 : i32
    %dma_wait3A_76 = arith.constant 0 : i32
    %dma_wait3A_77 = tpu.memref_slice %arg6[%dma_wait3A_75, %dma_wait3A_76] : memref<512x128xf32, #tpu.memory_space<vmem>> -> memref<128x128xf32, #tpu.memory_space<vmem>>
    %dma_wait3A_78 = arith.constant 0 : i32
    %dma_wait3A_79 = tpu.memref_slice %arg5[%dma_wait3A_74, %dma_wait3A_78] : memref<4x128xi32, #tpu.memory_space<vmem>> -> memref<1x128xi32, #tpu.memory_space<vmem>>
    %dma_wait3A_80 = tpu.memref_squeeze %dma_wait3A_79 : memref<1x128xi32, #tpu.memory_space<vmem>> -> memref<128xi32, #tpu.memory_space<vmem>>
    %dma_wait3A_81 = arith.constant 0 : i32
    %dma_wait3A_82 = arith.constant 0 : i32
    %dma_wait3A_83 = tpu.memref_slice %arg2[%dma_wait3A_81, %dma_wait3A_82] : memref<100001x128xf32, #tpu.memory_space<hbm>> -> memref<100001x128xf32, #tpu.memory_space<hbm>>
    tpu.wait_indirect_dma semaphore(%arg8 : memref<!tpu.dma_semaphore, #tpu.memory_space<semaphore_mem>>) src(%dma_wait3A_83 : memref<100001x128xf32, #tpu.memory_space<hbm>>) dst(%dma_wait3A_77 : memref<128x128xf32, #tpu.memory_space<vmem>>)
    %add3A_84 = arith.constant 128 : i32
    %add3A_85 = arith.addi %mul3A_2, %add3A_84 : i32
    %dma_start3A_86 = arith.constant 128 : i32
    %dma_start3A_87 = arith.constant 0 : i32
    %dma_start3A_88 = tpu.memref_slice %arg6[%dma_start3A_86, %dma_start3A_87] : memref<512x128xf32, #tpu.memory_space<vmem>> -> memref<128x128xf32, #tpu.memory_space<vmem>>
    %dma_start3A_89 = arith.constant 0 : i32
    %dma_start3A_90 = tpu.memref_slice %arg4[%add3A_85, %dma_start3A_89] : memref<16384x128xf32, #tpu.memory_space<hbm>> -> memref<128x128xf32, #tpu.memory_space<hbm>>
    %dma_start3A_91 = arith.constant 0 : i32
    %dma_start3A_92 = tpu.memref_slice %arg4[%add3A_85, %dma_start3A_91] : memref<16384x128xf32, #tpu.memory_space<hbm>> -> memref<128x128xf32, #tpu.memory_space<hbm>>
    %dma_start3A_93 = arith.constant 128 : i32
    %dma_start3A_94 = arith.constant 0 : i32
    %dma_start3A_95 = tpu.memref_slice %arg6[%dma_start3A_93, %dma_start3A_94] : memref<512x128xf32, #tpu.memory_space<vmem>> -> memref<128x128xf32, #tpu.memory_space<vmem>>
    tpu.enqueue_dma source(%dma_start3A_95 : memref<128x128xf32, #tpu.memory_space<vmem>>) target(%dma_start3A_92 : memref<128x128xf32, #tpu.memory_space<hbm>>) target_semaphore(%arg11 : memref<!tpu.dma_semaphore, #tpu.memory_space<semaphore_mem>>)
    %dma_wait3A_96 = arith.constant 2 : i32
    %dma_wait3A_97 = arith.constant 256 : i32
    %dma_wait3A_98 = arith.constant 0 : i32
    %dma_wait3A_99 = tpu.memref_slice %arg6[%dma_wait3A_97, %dma_wait3A_98] : memref<512x128xf32, #tpu.memory_space<vmem>> -> memref<128x128xf32, #tpu.memory_space<vmem>>
    %dma_wait3A_100 = arith.constant 0 : i32
    %dma_wait3A_101 = tpu.memref_slice %arg5[%dma_wait3A_96, %dma_wait3A_100] : memref<4x128xi32, #tpu.memory_space<vmem>> -> memref<1x128xi32, #tpu.memory_space<vmem>>
    %dma_wait3A_102 = tpu.memref_squeeze %dma_wait3A_101 : memref<1x128xi32, #tpu.memory_space<vmem>> -> memref<128xi32, #tpu.memory_space<vmem>>
    %dma_wait3A_103 = arith.constant 0 : i32
    %dma_wait3A_104 = arith.constant 0 : i32
    %dma_wait3A_105 = tpu.memref_slice %arg2[%dma_wait3A_103, %dma_wait3A_104] : memref<100001x128xf32, #tpu.memory_space<hbm>> -> memref<100001x128xf32, #tpu.memory_space<hbm>>
    tpu.wait_indirect_dma semaphore(%arg9 : memref<!tpu.dma_semaphore, #tpu.memory_space<semaphore_mem>>) src(%dma_wait3A_105 : memref<100001x128xf32, #tpu.memory_space<hbm>>) dst(%dma_wait3A_99 : memref<128x128xf32, #tpu.memory_space<vmem>>)
    %add3A_106 = arith.constant 256 : i32
    %add3A_107 = arith.addi %mul3A_2, %add3A_106 : i32
    %dma_start3A_108 = arith.constant 256 : i32
    %dma_start3A_109 = arith.constant 0 : i32
    %dma_start3A_110 = tpu.memref_slice %arg6[%dma_start3A_108, %dma_start3A_109] : memref<512x128xf32, #tpu.memory_space<vmem>> -> memref<128x128xf32, #tpu.memory_space<vmem>>
    %dma_start3A_111 = arith.constant 0 : i32
    %dma_start3A_112 = tpu.memref_slice %arg4[%add3A_107, %dma_start3A_111] : memref<16384x128xf32, #tpu.memory_space<hbm>> -> memref<128x128xf32, #tpu.memory_space<hbm>>
    %dma_start3A_113 = arith.constant 0 : i32
    %dma_start3A_114 = tpu.memref_slice %arg4[%add3A_107, %dma_start3A_113] : memref<16384x128xf32, #tpu.memory_space<hbm>> -> memref<128x128xf32, #tpu.memory_space<hbm>>
    %dma_start3A_115 = arith.constant 256 : i32
    %dma_start3A_116 = arith.constant 0 : i32
    %dma_start3A_117 = tpu.memref_slice %arg6[%dma_start3A_115, %dma_start3A_116] : memref<512x128xf32, #tpu.memory_space<vmem>> -> memref<128x128xf32, #tpu.memory_space<vmem>>
    tpu.enqueue_dma source(%dma_start3A_117 : memref<128x128xf32, #tpu.memory_space<vmem>>) target(%dma_start3A_114 : memref<128x128xf32, #tpu.memory_space<hbm>>) target_semaphore(%arg11 : memref<!tpu.dma_semaphore, #tpu.memory_space<semaphore_mem>>)
    %dma_wait3A_118 = arith.constant 3 : i32
    %dma_wait3A_119 = arith.constant 384 : i32
    %dma_wait3A_120 = arith.constant 0 : i32
    %dma_wait3A_121 = tpu.memref_slice %arg6[%dma_wait3A_119, %dma_wait3A_120] : memref<512x128xf32, #tpu.memory_space<vmem>> -> memref<128x128xf32, #tpu.memory_space<vmem>>
    %dma_wait3A_122 = arith.constant 0 : i32
    %dma_wait3A_123 = tpu.memref_slice %arg5[%dma_wait3A_118, %dma_wait3A_122] : memref<4x128xi32, #tpu.memory_space<vmem>> -> memref<1x128xi32, #tpu.memory_space<vmem>>
    %dma_wait3A_124 = tpu.memref_squeeze %dma_wait3A_123 : memref<1x128xi32, #tpu.memory_space<vmem>> -> memref<128xi32, #tpu.memory_space<vmem>>
    %dma_wait3A_125 = arith.constant 0 : i32
    %dma_wait3A_126 = arith.constant 0 : i32
    %dma_wait3A_127 = tpu.memref_slice %arg2[%dma_wait3A_125, %dma_wait3A_126] : memref<100001x128xf32, #tpu.memory_space<hbm>> -> memref<100001x128xf32, #tpu.memory_space<hbm>>
    tpu.wait_indirect_dma semaphore(%arg10 : memref<!tpu.dma_semaphore, #tpu.memory_space<semaphore_mem>>) src(%dma_wait3A_127 : memref<100001x128xf32, #tpu.memory_space<hbm>>) dst(%dma_wait3A_121 : memref<128x128xf32, #tpu.memory_space<vmem>>)
    %add3A_128 = arith.constant 384 : i32
    %add3A_129 = arith.addi %mul3A_2, %add3A_128 : i32
    %dma_start3A_130 = arith.constant 384 : i32
    %dma_start3A_131 = arith.constant 0 : i32
    %dma_start3A_132 = tpu.memref_slice %arg6[%dma_start3A_130, %dma_start3A_131] : memref<512x128xf32, #tpu.memory_space<vmem>> -> memref<128x128xf32, #tpu.memory_space<vmem>>
    %dma_start3A_133 = arith.constant 0 : i32
    %dma_start3A_134 = tpu.memref_slice %arg4[%add3A_129, %dma_start3A_133] : memref<16384x128xf32, #tpu.memory_space<hbm>> -> memref<128x128xf32, #tpu.memory_space<hbm>>
    %dma_start3A_135 = arith.constant 0 : i32
    %dma_start3A_136 = tpu.memref_slice %arg4[%add3A_129, %dma_start3A_135] : memref<16384x128xf32, #tpu.memory_space<hbm>> -> memref<128x128xf32, #tpu.memory_space<hbm>>
    %dma_start3A_137 = arith.constant 384 : i32
    %dma_start3A_138 = arith.constant 0 : i32
    %dma_start3A_139 = tpu.memref_slice %arg6[%dma_start3A_137, %dma_start3A_138] : memref<512x128xf32, #tpu.memory_space<vmem>> -> memref<128x128xf32, #tpu.memory_space<vmem>>
    tpu.enqueue_dma source(%dma_start3A_139 : memref<128x128xf32, #tpu.memory_space<vmem>>) target(%dma_start3A_136 : memref<128x128xf32, #tpu.memory_space<hbm>>) target_semaphore(%arg11 : memref<!tpu.dma_semaphore, #tpu.memory_space<semaphore_mem>>)
    %dma_wait3A_140 = arith.constant 0 : i32
    %dma_wait3A_141 = arith.constant 0 : i32
    %dma_wait3A_142 = tpu.memref_slice %arg6[%dma_wait3A_140, %dma_wait3A_141] : memref<512x128xf32, #tpu.memory_space<vmem>> -> memref<128x128xf32, #tpu.memory_space<vmem>>
    %dma_wait3A_143 = arith.constant 0 : i32
    %dma_wait3A_144 = tpu.memref_slice %arg4[%add3A_63, %dma_wait3A_143] : memref<16384x128xf32, #tpu.memory_space<hbm>> -> memref<128x128xf32, #tpu.memory_space<hbm>>
    %dma_wait3A_145 = arith.constant 0 : i32
    %dma_wait3A_146 = tpu.memref_slice %arg4[%add3A_63, %dma_wait3A_145] : memref<16384x128xf32, #tpu.memory_space<hbm>> -> memref<128x128xf32, #tpu.memory_space<hbm>>
    %dma_wait3A_147 = arith.constant 0 : i32
    %dma_wait3A_148 = arith.constant 0 : i32
    %dma_wait3A_149 = tpu.memref_slice %arg6[%dma_wait3A_147, %dma_wait3A_148] : memref<512x128xf32, #tpu.memory_space<vmem>> -> memref<128x128xf32, #tpu.memory_space<vmem>>
    tpu.wait_dma2 semaphore(%arg11 : memref<!tpu.dma_semaphore, #tpu.memory_space<semaphore_mem>>) src(%dma_wait3A_149 : memref<128x128xf32, #tpu.memory_space<vmem>>) dst(%dma_wait3A_146 : memref<128x128xf32, #tpu.memory_space<hbm>>)
    %dma_wait3A_150 = arith.constant 128 : i32
    %dma_wait3A_151 = arith.constant 0 : i32
    %dma_wait3A_152 = tpu.memref_slice %arg6[%dma_wait3A_150, %dma_wait3A_151] : memref<512x128xf32, #tpu.memory_space<vmem>> -> memref<128x128xf32, #tpu.memory_space<vmem>>
    %dma_wait3A_153 = arith.constant 0 : i32
    %dma_wait3A_154 = tpu.memref_slice %arg4[%add3A_85, %dma_wait3A_153] : memref<16384x128xf32, #tpu.memory_space<hbm>> -> memref<128x128xf32, #tpu.memory_space<hbm>>
    %dma_wait3A_155 = arith.constant 0 : i32
    %dma_wait3A_156 = tpu.memref_slice %arg4[%add3A_85, %dma_wait3A_155] : memref<16384x128xf32, #tpu.memory_space<hbm>> -> memref<128x128xf32, #tpu.memory_space<hbm>>
    %dma_wait3A_157 = arith.constant 128 : i32
    %dma_wait3A_158 = arith.constant 0 : i32
    %dma_wait3A_159 = tpu.memref_slice %arg6[%dma_wait3A_157, %dma_wait3A_158] : memref<512x128xf32, #tpu.memory_space<vmem>> -> memref<128x128xf32, #tpu.memory_space<vmem>>
    tpu.wait_dma2 semaphore(%arg11 : memref<!tpu.dma_semaphore, #tpu.memory_space<semaphore_mem>>) src(%dma_wait3A_159 : memref<128x128xf32, #tpu.memory_space<vmem>>) dst(%dma_wait3A_156 : memref<128x128xf32, #tpu.memory_space<hbm>>)
    %dma_wait3A_160 = arith.constant 256 : i32
    %dma_wait3A_161 = arith.constant 0 : i32
    %dma_wait3A_162 = tpu.memref_slice %arg6[%dma_wait3A_160, %dma_wait3A_161] : memref<512x128xf32, #tpu.memory_space<vmem>> -> memref<128x128xf32, #tpu.memory_space<vmem>>
    %dma_wait3A_163 = arith.constant 0 : i32
    %dma_wait3A_164 = tpu.memref_slice %arg4[%add3A_107, %dma_wait3A_163] : memref<16384x128xf32, #tpu.memory_space<hbm>> -> memref<128x128xf32, #tpu.memory_space<hbm>>
    %dma_wait3A_165 = arith.constant 0 : i32
    %dma_wait3A_166 = tpu.memref_slice %arg4[%add3A_107, %dma_wait3A_165] : memref<16384x128xf32, #tpu.memory_space<hbm>> -> memref<128x128xf32, #tpu.memory_space<hbm>>
    %dma_wait3A_167 = arith.constant 256 : i32
    %dma_wait3A_168 = arith.constant 0 : i32
    %dma_wait3A_169 = tpu.memref_slice %arg6[%dma_wait3A_167, %dma_wait3A_168] : memref<512x128xf32, #tpu.memory_space<vmem>> -> memref<128x128xf32, #tpu.memory_space<vmem>>
    tpu.wait_dma2 semaphore(%arg11 : memref<!tpu.dma_semaphore, #tpu.memory_space<semaphore_mem>>) src(%dma_wait3A_169 : memref<128x128xf32, #tpu.memory_space<vmem>>) dst(%dma_wait3A_166 : memref<128x128xf32, #tpu.memory_space<hbm>>)
    %dma_wait3A_170 = arith.constant 384 : i32
    %dma_wait3A_171 = arith.constant 0 : i32
    %dma_wait3A_172 = tpu.memref_slice %arg6[%dma_wait3A_170, %dma_wait3A_171] : memref<512x128xf32, #tpu.memory_space<vmem>> -> memref<128x128xf32, #tpu.memory_space<vmem>>
    %dma_wait3A_173 = arith.constant 0 : i32
    %dma_wait3A_174 = tpu.memref_slice %arg4[%add3A_129, %dma_wait3A_173] : memref<16384x128xf32, #tpu.memory_space<hbm>> -> memref<128x128xf32, #tpu.memory_space<hbm>>
    %dma_wait3A_175 = arith.constant 0 : i32
    %dma_wait3A_176 = tpu.memref_slice %arg4[%add3A_129, %dma_wait3A_175] : memref<16384x128xf32, #tpu.memory_space<hbm>> -> memref<128x128xf32, #tpu.memory_space<hbm>>
    %dma_wait3A_177 = arith.constant 384 : i32
    %dma_wait3A_178 = arith.constant 0 : i32
    %dma_wait3A_179 = tpu.memref_slice %arg6[%dma_wait3A_177, %dma_wait3A_178] : memref<512x128xf32, #tpu.memory_space<vmem>> -> memref<128x128xf32, #tpu.memory_space<vmem>>
    tpu.wait_dma2 semaphore(%arg11 : memref<!tpu.dma_semaphore, #tpu.memory_space<semaphore_mem>>) src(%dma_wait3A_179 : memref<128x128xf32, #tpu.memory_space<vmem>>) dst(%dma_wait3A_176 : memref<128x128xf32, #tpu.memory_space<hbm>>)
    return
  }
}

module attributes {stable_mosaic.version = 14 : i64} {
  func.func @_mlp_body(%arg0: i32, %arg1: memref<4096x128xf32, #tpu.memory_space<vmem>>, %arg2: memref<128x512xf32, #tpu.memory_space<vmem>>, %arg3: memref<1x512xf32, #tpu.memory_space<vmem>>, %arg4: memref<512x512xf32, #tpu.memory_space<vmem>>, %arg5: memref<1x512xf32, #tpu.memory_space<vmem>>, %arg6: memref<4096x512xf32, #tpu.memory_space<vmem>>) attributes {dimension_semantics = [#tpu.dimension_semantics<parallel>], iteration_bounds = array<i64: 4>, scalar_prefetch = 0 : i64, scratch_operands = 0 : i64, tpu.core_type = #tpu.core_type<tc>, window_params = [{transform_indices = @transform_0, window_bounds = array<i64: 4096, 128>}, {pipeline_mode = #tpu.pipeline_mode<synchronous>, transform_indices = @transform_1, window_bounds = array<i64: 128, 512>}, {pipeline_mode = #tpu.pipeline_mode<synchronous>, transform_indices = @transform_2, window_bounds = array<i64: 1, 512>}, {pipeline_mode = #tpu.pipeline_mode<synchronous>, transform_indices = @transform_3, window_bounds = array<i64: 512, 512>}, {pipeline_mode = #tpu.pipeline_mode<synchronous>, transform_indices = @transform_4, window_bounds = array<i64: 1, 512>}, {transform_indices = @transform_5, window_bounds = array<i64: 4096, 512>}]} {
    %get3A = arith.constant 0 : index
    %get3A_0 = arith.constant 0 : index
    %get3A_1 = vector.load %arg1[%get3A, %get3A_0] : memref<4096x128xf32, #tpu.memory_space<vmem>>, vector<4096x128xf32>
    %get3A_2 = arith.constant 0 : index
    %get3A_3 = arith.constant 0 : index
    %get3A_4 = vector.load %arg2[%get3A_2, %get3A_3] : memref<128x512xf32, #tpu.memory_space<vmem>>, vector<128x512xf32>
    %dot_general3A = arith.constant dense<0.000000e+00> : vector<4096x512xf32>
    %dot_general3A_5 = tpu.matmul %get3A_1, %get3A_4, %dot_general3A {dimension_numbers = #tpu.dot_dimension_numbers<[1], [0], [0], [1], [0, 0, 1, 1], [], []>, transpose_lhs_hint = false} : vector<4096x128xf32>, vector<128x512xf32>, vector<4096x512xf32> -> vector<4096x512xf32>
    %get3A_6 = arith.constant 0 : index
    %get3A_7 = arith.constant 0 : index
    %get3A_8 = vector.load %arg3[%get3A_6, %get3A_7] : memref<1x512xf32, #tpu.memory_space<vmem>>, vector<1x512xf32>
    %add3A = vector.broadcast %get3A_8 : vector<1x512xf32> to vector<4096x512xf32>
    %add3A_9 = arith.addf %dot_general3A_5, %add3A : vector<4096x512xf32>
    %mul3A = arith.constant 5.000000e-01 : f32
    %mul3A_10 = vector.broadcast %mul3A : f32 to vector<4096x512xf32>
    %mul3A_11 = arith.mulf %mul3A_10, %add3A_9 : vector<4096x512xf32>
    %tanh3A = math.tanh %mul3A_11 : vector<4096x512xf32>
    %mul3A_12 = arith.constant 5.000000e-01 : f32
    %mul3A_13 = vector.broadcast %mul3A_12 : f32 to vector<4096x512xf32>
    %mul3A_14 = arith.mulf %mul3A_13, %tanh3A : vector<4096x512xf32>
    %add3A_15 = arith.constant 5.000000e-01 : f32
    %add3A_16 = vector.broadcast %add3A_15 : f32 to vector<4096x512xf32>
    %add3A_17 = arith.addf %add3A_16, %mul3A_14 : vector<4096x512xf32>
    %mul3A_18 = arith.mulf %add3A_9, %add3A_17 : vector<4096x512xf32>
    %get3A_19 = arith.constant 0 : index
    %get3A_20 = arith.constant 0 : index
    %get3A_21 = vector.load %arg4[%get3A_19, %get3A_20] : memref<512x512xf32, #tpu.memory_space<vmem>>, vector<512x512xf32>
    %dot_general3A_22 = arith.constant dense<0.000000e+00> : vector<4096x512xf32>
    %dot_general3A_23 = tpu.matmul %mul3A_18, %get3A_21, %dot_general3A_22 {dimension_numbers = #tpu.dot_dimension_numbers<[1], [0], [0], [1], [0, 0, 1, 1], [], []>, transpose_lhs_hint = false} : vector<4096x512xf32>, vector<512x512xf32>, vector<4096x512xf32> -> vector<4096x512xf32>
    %get3A_24 = arith.constant 0 : index
    %get3A_25 = arith.constant 0 : index
    %get3A_26 = vector.load %arg5[%get3A_24, %get3A_25] : memref<1x512xf32, #tpu.memory_space<vmem>>, vector<1x512xf32>
    %add3A_27 = vector.broadcast %get3A_26 : vector<1x512xf32> to vector<4096x512xf32>
    %add3A_28 = arith.addf %dot_general3A_23, %add3A_27 : vector<4096x512xf32>
    %swap3A = arith.constant 0 : index
    %swap3A_29 = arith.constant 0 : index
    %swap3A_30 = vector.load %arg6[%swap3A, %swap3A_29] : memref<4096x512xf32, #tpu.memory_space<vmem>>, vector<4096x512xf32>
    tpu.vector_store %arg6[%swap3A, %swap3A_29], %add3A_28 {strides = array<i32>} : memref<4096x512xf32, #tpu.memory_space<vmem>>, vector<4096x512xf32>,
    return
  }
  func.func @transform_0(%arg0: i32) -> (i32, i32) {
    %c0_i32 = arith.constant 0 : i32
    %c0_i32_0 = arith.constant 0 : i32
    return %arg0, %c0_i32 : i32, i32
  }
  func.func @transform_1(%arg0: i32) -> (i32, i32) {
    %c0_i32 = arith.constant 0 : i32
    %c0_i32_0 = arith.constant 0 : i32
    %c0_i32_1 = arith.constant 0 : i32
    return %c0_i32, %c0_i32_0 : i32, i32
  }
  func.func @transform_2(%arg0: i32) -> (i32, i32) {
    %c0_i32 = arith.constant 0 : i32
    %c0_i32_0 = arith.constant 0 : i32
    %c0_i32_1 = arith.constant 0 : i32
    return %c0_i32, %c0_i32_0 : i32, i32
  }
  func.func @transform_3(%arg0: i32) -> (i32, i32) {
    %c0_i32 = arith.constant 0 : i32
    %c0_i32_0 = arith.constant 0 : i32
    %c0_i32_1 = arith.constant 0 : i32
    return %c0_i32, %c0_i32_0 : i32, i32
  }
  func.func @transform_4(%arg0: i32) -> (i32, i32) {
    %c0_i32 = arith.constant 0 : i32
    %c0_i32_0 = arith.constant 0 : i32
    %c0_i32_1 = arith.constant 0 : i32
    return %c0_i32, %c0_i32_0 : i32, i32
  }
  func.func @transform_5(%arg0: i32) -> (i32, i32) {
    %c0_i32 = arith.constant 0 : i32
    %c0_i32_0 = arith.constant 0 : i32
    return %arg0, %c0_i32 : i32, i32
  }
}

</mosaic_0001>

<sc_bundles>
// kernel: kernel.4.cloned.1.call-start
scs
__scs_entry_jumppad:
0x0: {  	(pc) =	sbr.rel $0x88, $3  }
0x1: {  	(tag) =	ssettag $0x0;
	lr =	simm.s32 $0x1  }
0x2: {  	[smem:$0x3F9B] =	sst lr;
	_ =	strace $0xD0000000  }
0x3: {  	_ = 	snop  }
0x4: {  	_ = 	snop  }
0x5: {  	_ = 	snop  }
0x6: {  	_ = 	snop  }
0x7: {  	_ = 	snop  }
__scs_overlays_trampoline_lowered:
0x8: {  	[smem:$0x3FAA] =	sst s0  }
0x9: {  	[smem:$0x3FAB] =	sst s1  }
0xa: {  	[smem:$0x3FAC] =	sst s2  }
0xb: {  	[smem:$0x3FAD] =	sst s3  }
0xc: {  	[smem:$0x3FAE] =	sst s4  }
0xd: {  	[smem:$0x3FAF] =	sst s5  }
0xe: {  	[smem:$0x3FB0] =	sst s6  }
0xf: {  	[smem:$0x3FB1] =	sst s7  }
0x10: {  	[smem:$0x3FB2] =	sst s8  }
0x11: {  	[smem:$0x3FB3] =	sst s9;
	s0 =	simm.s32 @!p0 $0x0  }
0x12: {  	s1 =	sld [smem:$0x3F99];
	s0 =	simm.s32 @p0 $0x1  }
0x13: {  	[smem:$0x3FB4] =	sst s0;
	s0 =	simm.s32 @!p1 $0x0  }
0x14: {  	s2 =	sld [smem:$0x3F98];
	s0 =	simm.s32 @p1 $0x1  }
0x15: {  	[smem:$0x3FB5] =	sst s0;
	s0 =	simm.s32 @!p2 $0x0  }
0x16: {  	s3 =	sld [smem:$0x3FDB];
	s0 =	simm.s32 @p2 $0x1  }
0x17: {  	s4 =	simm.s32 $0x1BF5;
	[smem:$0x3FB7] =	sst s0  }
0x18: {  	s0 =	sld [smem:$0x3F9A];
	_ =	swait.ge [sflag:s4], $0x0  }
0x19: {  	s7 =	sld [smem:$0x3F9B]  }
0x1a: {  	s8 =	sadd.s32 $0xFFFFE003, lr  }
0x1b: {  	s9 =	sadd.s32 $0xFFFFFEF7, lr;
	s5 =	simm.s32 $0xFFFFFFFF;
	p2 =	slt.u32 s8, $0xFFFFF086  }
0x1c: {  	p1 =	slt.u32 s9, $0xF7A;
	s5 =	simm.s32 @!p2 $0x0  }
0x1d: {  	s5 =	simm.s32 @p1 $0x1;
	p0 =	seq.s32 s7, s2  }
0x1e: {  	s7 =	smul.u32 @!p0 $0xF7A, s2;
	p2 =	seq.s32 @!p0 s5, $0x0  }
0x1f: {  	s9 =	smul.u32 $0xF7A, s1;
	s8 =	simm.s32 @!p0 $0x1BF5;
	p2 =	por !p2, p0  }
0x20: {  	[sflag:s8] =	ssyncset.s32 @!p0 $0xFFFFF086;
	s6 =	sadd.s32 @!p0 s3, s7;
	s7 =	simm.s32 @!p0 $0x108  }
0x21: {  	s3 =	sadd.s32 s3, s9;
	s6 =	sadd.s32 @!p0 $0x88, s6;
	s7 =	simm.s32 @p2 $0x1082  }
0x22: {  	[simem:s7], [sflag:s8] =	dma.local @!p0 [hbm:s6], $0xF7A  }
0x23: {  	s9 =	sor.u32 $0xD0000000, s2;
	s6 =	simm.s32 $0x108;
	_ =	swait.ge @!p0 [sflag:s8], $0x0  }
0x24: {  	s3 =	sadd.s32 $0x88, s3;
	s6 =	simm.s32 @!p1 $0x1082;
	[sflag:s4] =	ssyncset.s32 $0xFFFFF086  }
0x25: {  	[simem:s6], [sflag:s4] =	dma.local [hbm:s3], $0xF7A  }
0x26: {  	[smem:$0x3F9B] =	sst s1;
	(tag) =	ssettag s2;
	_ =	strace s9  }
0x27: {  	s1 =	sld [smem:$0x3FAB]  }
0x28: {  	s2 =	sld [smem:$0x3FAC]  }
0x29: {  	s4 =	sld [smem:$0x3FAE]  }
0x2a: {  	p0 =	seq.s32 s5, $0x0;
	s5 =	sld [smem:$0x3FAF]  }
0x2b: {  	s6 =	sld [smem:$0x3FB0]  }
0x2c: {  	s7 =	sld [smem:$0x3FB1]  }
0x2d: {  	s3 =	simm.s32 $0x108;
	s8 =	sld [smem:$0x3FB2]  }
0x2e: {  	s3 =	simm.s32 @!p0 $0x1082;
	s9 =	sld [smem:$0x3FB3]  }
0x2f: {  	lr =	sadd.s32 s0, s3;
	s0 =	sld [smem:$0x3FAA]  }
0x30: {  	s3 =	sld [smem:$0x3FAD]  }
0x31: {  	[smem:$0x3FB6] =	sst s10  }
0x32: {  	s10 =	sld [smem:$0x3FB4];
	_ =	sdelay $0x3  }
0x33: {  	p0 =	seq.s32 s10, $0x1;
	s10 =	sld [smem:$0x3FB6];
	_ =	sdelay $0x3  }
0x34: {  	[smem:$0x3FB6] =	sst s10  }
0x35: {  	s10 =	sld [smem:$0x3FB5];
	_ =	sdelay $0x3  }
0x36: {  	p1 =	seq.s32 s10, $0x1;
	s10 =	sld [smem:$0x3FB6];
	_ =	sdelay $0x3  }
0x37: {  	[smem:$0x3FB6] =	sst s10  }
0x38: {  	s10 =	sld [smem:$0x3FB7]  }
0x39: {  	_ = 	snop;
	(pc) =	sbr.ind lr, $3  }
0x3a: {  	_ = 	snop  }
0x3b: {  	_ = 	snop  }
0x3c: {  	p2 =	seq.s32 s10, $0x1;
	s10 =	sld [smem:$0x3FB6]  }
0x3d: {  	_ =	shalt  }
0x3e: {  	_ =	shalt  }
0x3f: {  	_ =	shalt  }
0x40: {  	_ =	shalt  }
0x41: {  	_ =	shalt  }
0x42: {  	_ =	shalt  }
0x43: {  	_ =	shalt  }
0x44: {  	_ =	shalt  }
0x45: {  	_ =	shalt  }
0x46: {  	_ =	shalt  }
0x47: {  	_ =	shalt  }
0x48: {  	_ =	shalt  }
0x49: {  	_ =	shalt  }
0x4a: {  	_ =	shalt  }
0x4b: {  	_ =	shalt  }
0x4c: {  	_ =	shalt  }
0x4d: {  	_ =	shalt  }
0x4e: {  	_ =	shalt  }
0x4f: {  	_ =	shalt  }
0x50: {  	_ =	shalt  }
0x51: {  	_ =	shalt  }
0x52: {  	_ =	shalt  }
0x53: {  	_ =	shalt  }
0x54: {  	_ =	shalt  }
0x55: {  	_ =	shalt  }
0x56: {  	_ =	shalt  }
0x57: {  	_ =	shalt  }
0x58: {  	_ =	shalt  }
0x59: {  	_ =	shalt  }
0x5a: {  	_ =	shalt  }
0x5b: {  	_ =	shalt  }
0x5c: {  	_ =	shalt  }
0x5d: {  	_ =	shalt  }
0x5e: {  	_ =	shalt  }
0x5f: {  	_ =	shalt  }
0x60: {  	_ =	shalt  }
0x61: {  	_ =	shalt  }
0x62: {  	_ =	shalt  }
0x63: {  	_ =	shalt  }
0x64: {  	_ =	shalt  }
0x65: {  	_ =	shalt  }
0x66: {  	_ =	shalt  }
0x67: {  	_ =	shalt  }
0x68: {  	_ =	shalt  }
0x69: {  	_ =	shalt  }
0x6a: {  	_ =	shalt  }
0x6b: {  	_ =	shalt  }
0x6c: {  	_ =	shalt  }
0x6d: {  	_ =	shalt  }
0x6e: {  	_ =	shalt  }
0x6f: {  	_ =	shalt  }
0x70: {  	_ =	shalt  }
0x71: {  	_ =	shalt  }
0x72: {  	_ =	shalt  }
0x73: {  	_ =	shalt  }
0x74: {  	_ =	shalt  }
0x75: {  	_ =	shalt  }
0x76: {  	_ =	shalt  }
0x77: {  	_ =	shalt  }
0x78: {  	_ =	shalt  }
0x79: {  	_ =	shalt  }
0x7a: {  	_ =	shalt  }
0x7b: {  	_ =	shalt  }
0x7c: {  	_ =	shalt  }
0x7d: {  	_ =	shalt  }
0x7e: {  	_ =	shalt  }
0x7f: {  	_ =	shalt  }
0x80: {  	_ =	shalt  }
0x81: {  	_ =	shalt  }
0x82: {  	_ =	shalt  }
0x83: {  	_ =	shalt  }
0x84: {  	_ =	shalt  }
0x85: {  	_ =	shalt  }
0x86: {  	_ =	shalt  }
0x87: {  	_ =	shalt  }
.Lfunc_end0:
.L_simem_size_0:
called_computation_lowered:
.L_overlay_start_0:
0x88: {  	s2 =	sld [smem:$0x3FD9]  }
0x89: {  	s3 =	sld [smem:$0x3FFE];
	_ =	sdelay $0x1  }
0x8a: {  	s1 =	srdreg.scid  }
0x8b: {  	s0 =	sand.u32 $0x1, s1  }
0x8c: {  	s18 =	sshll.u32 s0, $0xA;
	s2 =	sadd.s32 s3, s2  }
0x8d: {  	s2 =	sadd.s32 s2, s18  }
0x8e: {  	[smem:$0x3FC2] =	sst s2  }
0x8f: {  	_ = 	snop  }
0x90: {  	s2 =	sld [smem:$0x3FC9]  }
0x91: {  	s19 =	sld [smem:$0x3FC8]  }
0x92: {  	s4 =	sld [smem:$0x3FD0];
	(tm) =	ssettm $0x1  }
0x93: {  	s5 =	sld [smem:$0x3FFB];
	_ =	sdelay $0x3  }
0x94: {  	_ =	strace s5  }
0x95: {  	s5 =	sld [smem:$0x3FFC];
	_ =	sdelay $0x3  }
0x96: {  	_ =	strace s5  }
0x97: {  	s5 =	sld [smem:$0x3FFD];
	_ =	sdelay $0x3  }
0x98: {  	_ =	strace s5  }
0x99: {  	_ =	strace $0x8FFFFFFF  }
0x9a: {  	s20 =	sld [smem:$0x3FDB];
	_ =	sdelay $0x1  }
0x9b: {  	s6 =	simm.s32 $_scs_section_size  }
0x9c: {  	s7 =	simm.s32 $_size__tile_overlayer_lowered;
	s8 =	simm.s32 $_tile_overlayer_lowered  }
0x9d: {  	s23 =	simm.s32 $0x1BFF;
	s22 =	sshll.u32 s8, $0x1;
	s5 =	sadd.s32 s6, s20  }
0x9e: {  	s9 =	simm.s32 $0x0;
	s21 =	sshll.u32 s7, $0x1;
	s7 =	sadd.s32 s22, s5  }
0x9f: {  	[timem:s9], [sflag:s23] =	dma.local [hbm:s7], s21  }
0xa0: {  	_ =	swait.ge [sflag:s23], s21  }
0xa1: {  	s6 =	ssub.s32 $0x0, s21;
	[sflag:s23] =	ssyncset.done $0x0  }
0xa2: {  	[sflag:s23] =	ssyncadd.s32 s6;
	_ =	sdelay $0x1  }
0xa3: {  	s24 =	simm.s32 $0x1B8B  }
0xa4: {  	_ =	swait.ge [sflag:s24], $0x1  }
0xa5: {  	[sflag:s24] =	ssyncset.done $0x0  }
0xa6: {  	s25 =	simm.s32 $0x1B8E;
	[sflag:s24] =	ssyncadd.s32 $0xFFFFFFFF  }
0xa7: {  	s26 =	simm.s32 $execute0_lowered;
	[smem:$0x3FD2] =	sst s25  }
0xa8: {  	s6 =	sshll.u32 s26, $0x1;
	_ =	strace $0x80000046;
	[dreg:$0x1] =	wrdreg $0xFFFFFFFF  }
0xa9: {  	s28 =	simm.s32 $_size_execute0_lowered;
	s5 =	sadd.s32 s5, s6;
	[dreg:$0x0] =	wrdreg $0x0  }
0xaa: {  	s6 =	sshll.u32 s28, $0x1;
	[dreg:$0x2] =	wrdreg s5  }
0xab: {  	[dreg:$0x3] =	wrdreg s6  }
0xac: {  	[dreg:$0x4] =	wrdreg $0xC0  }
0xad: {  	_ =	task [dreg:s9], $0x5FFFF  }
0xae: {  	[dreg:$0x1] =	wrdreg $0xFFFFFFFF  }
0xaf: {  	[dreg:$0x0] =	wrdreg $0x60  }
0xb0: {  	[dreg:$0x2] =	wrdreg s19  }
0xb1: {  	[dreg:$0x3] =	wrdreg s2  }
0xb2: {  	[dreg:$0x4] =	wrdreg s4  }
0xb3: {  	[dreg:$0x5] =	wrdreg $0x9  }
0xb4: {  	_ =	task.clear_ibuf [dreg:s9], $0x6FFFF;
	_ =	strace $0x90000046  }
0xb5: {  	s29 =	simm.s32 $0x9;
	_ =	strace $0x80000048  }
0xb6: {  	_ =	swait.ge [sflag:s29], $0x1  }
0xb7: {  	[sflag:s29] =	ssyncadd.s32 $0xFFFFFFFF  }
0xb8: {  	_ =	strace $0x90000048  }
0xb9: {  	_ =	sfence  }
0xba: {  	s30 =	sld [smem:$0x0];
	_ =	sdelay $0x2  }
0xbb: {  	s31 =	sshll.u32 s1, $0xD;
	s1 =	sshrl.u32 s1, $0x2  }
0xbc: {  	s3 =	sand.u32 $0x4000, s31;
	s1 =	sadd.s32 s1, s30  }
0xbd: {  	s0 =	sor.u32 s3, s0;
	s1 =	sshll.u32 s1, $0x11  }
0xbe: {  	s0 =	sor.u32 s1, s0  }
0xbf: {  	s0 =	sadd.s32 $0x8F2B, s0  }
0xc0: {  	[sflag:s0] =	ssyncadd.remote.s32 $0x1  }
0xc1: {  	_ =	sfence.sel $0xFFFF  }
0xc2: {  	[dreg:$0x0] =	wrdreg $0xFFFFFFFF;
	(pc) =	sbr.abs _section_cstart, $3  }
0xc3: {  	[dreg:$0x1] =	wrdreg $0xFFFFFFFF  }
0xc4: {  	_ =	task.clear_ibuf [dreg:s9], $0x2FFFF;
	_ =	strace $0x9FFFFFFF  }
0xc5: {  	(tm) =	ssettm $0x7FFFFFFF  }
tec
execute0_lowered:
.L_overlay_start_1:
0x0: {  	(tag) =	ssettag $0x1  }
0x1: {  	s1 =	rddreg [dreg:$0x0];
	s2 =	srdreg.scid  }
0x2: {  	s10 =	rddreg [dreg:$0x1];
	s0 =	stileid.u32;
	s25 =	sand.u32 $0x1, s2  }
0x3: {  	s23 =	rddreg [dreg:$0x2];
	s4 =	sshll.u32 s0, $0xA;
	s5 =	sshll.u32 s25, $0x9  }
0x4: {  	s3 =	simm.s32 $0x0;
	s2 =	rddreg [dreg:$0x3];
	s17 =	sor.u32 s5, s4  }
0x5: {  	[smem:$0x7FF] =	sst s3;
	s4 =	sshrl.u32 s17, $0x3  }
0x6: {  	_ =	strace $0x80000047;
	s5 =	simm.s32 $0x6;
	s4 =	sadd.s32 s10, s4  }
0x7: {  	[tilespmem:s3], [sflag:$0x6] =	stream.linear.gather [hbm4b:s4+s3], $0x80, $0x38;
	[tilespmem:$0x10200] =	vst v63  }
0x8: {  	s19 =	sor.u32 $0x80, s17;
	_ =	swait.ge [sflag:s5], $0x80  }
0x9: {  	s6 =	sshrl.u32 s19, $0x3;
	[sflag:s5] =	ssyncset.done $0x0  }
0xa: {  	s7 =	simm.s32 $0x80;
	s6 =	sadd.s32 s10, s6;
	[sflag:s5] =	ssyncadd.s32 $0xFFFFFF80  }
0xb: {  	[tilespmem:s7], [sflag:$0x6] =	stream.linear.gather [hbm4b:s6+s3], $0x80, $0x38;
	[tilespmem:$0x10200] =	vst v63  }
0xc: {  	s21 =	sor.u32 $0x100, s17;
	_ =	swait.ge [sflag:s5], $0x80  }
0xd: {  	s8 =	sshrl.u32 s21, $0x3;
	[sflag:s5] =	ssyncset.done $0x0  }
0xe: {  	s9 =	simm.s32 $0x100;
	s8 =	sadd.s32 s10, s8;
	[sflag:s5] =	ssyncadd.s32 $0xFFFFFF80  }
0xf: {  	[tilespmem:s9], [sflag:$0x6] =	stream.linear.gather [hbm4b:s8+s3], $0x80, $0x38;
	[tilespmem:$0x10200] =	vst v63  }
0x10: {  	s24 =	sor.u32 $0x180, s17;
	_ =	swait.ge [sflag:s5], $0x80  }
0x11: {  	s11 =	sshrl.u32 s24, $0x3;
	[sflag:s5] =	ssyncset.done $0x0  }
0x12: {  	s10 =	sadd.s32 s10, s11;
	s11 =	simm.s32 $0x180;
	[sflag:s5] =	ssyncadd.s32 $0xFFFFFF80  }
0x13: {  	[tilespmem:s11], [sflag:$0x6] =	stream.linear.gather [hbm4b:s10+s3], $0x80, $0x38;
	[tilespmem:$0x10200] =	vst v63  }
0x14: {  	_ =	swait.ge [sflag:s5], $0x80  }
0x15: {  	[sflag:s5] =	ssyncset.done $0x0  }
0x16: {  	s12 =	simm.s32 $0x200;
	[sflag:s5] =	ssyncadd.s32 $0xFFFFFF80  }
0x17: {  	[tilespmem:s12], [sflag:$0x1] =	stream.indirect.gather [hbm4b:s1+s7], $0x80, s3, s7, $0xb8;
	[tilespmem:$0x10200] =	vst v63  }
0x18: {  	s13 =	simm.s32 $0x4200  }
0x19: {  	[tilespmem:s13], [sflag:$0x2] =	stream.indirect.gather [hbm4b:s1+s7], $0x80, s7, s7, $0xb8;
	[tilespmem:$0x10200] =	vst v63  }
0x1a: {  	s14 =	simm.s32 $0x8200  }
0x1b: {  	[tilespmem:s14], [sflag:$0x3] =	stream.indirect.gather [hbm4b:s1+s7], $0x80, s9, s7, $0xb8;
	[tilespmem:$0x10200] =	vst v63  }
0x1c: {  	s15 =	simm.s32 $0xC200;
	s16 =	simm.s32 $0x1  }
0x1d: {  	[tilespmem:s15], [sflag:$0x4] =	stream.indirect.gather [hbm4b:s1+s7], $0x80, s11, s7, $0xb8;
	[tilespmem:$0x10200] =	vst v63  }
0x1e: {  	_ =	swait.ge [sflag:s16], $0x4000  }
0x1f: {  	s17 =	sshll.u32 s17, $0x4;
	[sflag:s16] =	ssyncset.done $0x0  }
0x20: {  	s18 =	simm.s32 $0x2;
	s17 =	sadd.s32 s23, s17;
	[sflag:s16] =	ssyncadd.s32 $0xFFFFC000  }
0x21: {  	[hbm4b:s17+s3] =	stream.linear.scatter [tilespmem:s12], [sflag:$0x5], $0x4000, $0x38;
	[tilespmem:$0x10200] =	vst v63  }
0x22: {  	_ =	swait.ge [sflag:s18], $0x4000  }
0x23: {  	s19 =	sshll.u32 s19, $0x4;
	[sflag:s18] =	ssyncset.done $0x0  }
0x24: {  	s20 =	simm.s32 $0x3;
	s19 =	sadd.s32 s23, s19;
	[sflag:s18] =	ssyncadd.s32 $0xFFFFC000  }
0x25: {  	[hbm4b:s19+s3] =	stream.linear.scatter [tilespmem:s13], [sflag:$0x5], $0x4000, $0x38;
	[tilespmem:$0x10200] =	vst v63  }
0x26: {  	_ =	swait.ge [sflag:s20], $0x4000  }
0x27: {  	s21 =	sshll.u32 s21, $0x4;
	[sflag:s20] =	ssyncset.done $0x0  }
0x28: {  	s22 =	simm.s32 $0x4;
	s21 =	sadd.s32 s23, s21;
	[sflag:s20] =	ssyncadd.s32 $0xFFFFC000  }
0x29: {  	[hbm4b:s21+s3] =	stream.linear.scatter [tilespmem:s14], [sflag:$0x5], $0x4000, $0x38;
	[tilespmem:$0x10200] =	vst v63  }
0x2a: {  	_ =	swait.ge [sflag:s22], $0x4000  }
0x2b: {  	s24 =	sshll.u32 s24, $0x4;
	[sflag:s22] =	ssyncset.done $0x0  }
0x2c: {  	s24 =	sadd.s32 s23, s24;
	s23 =	simm.s32 $0x5;
	[sflag:s22] =	ssyncadd.s32 $0xFFFFC000  }
0x2d: {  	[hbm4b:s24+s3] =	stream.linear.scatter [tilespmem:s15], [sflag:$0x5], $0x4000, $0x38;
	[tilespmem:$0x10200] =	vst v63  }
0x2e: {  	_ =	swait.ge [sflag:s23], $0x4000  }
0x2f: {  	s25 =	ssub.s32 $0x2, s25;
	[sflag:s23] =	ssyncset.done $0x0  }
0x30: {  	s26 =	sshrl.u32 s25, $0x1;
	[sflag:s23] =	ssyncadd.s32 $0xFFFFC000  }
0x31: {  	s25 =	ssub.s32 s25, s26;
	_ =	swait.ge [sflag:s23], $0x4000  }
0x32: {  	s25 =	smax.u32 s25, $0x1;
	[sflag:s23] =	ssyncset.done $0x0  }
0x33: {  	p0 =	sne.s32 s25, $0x1;
	[sflag:s23] =	ssyncadd.s32 $0xFFFFC000  }
.Ltmp0:
0x34: {  	_ =	swait.ge [sflag:s23], $0x4000;
	(pc) =	sbr.rel @!p0 .LBB2_2-.Ltmp0, $4  }
0x35: {  	[sflag:s23] =	ssyncset.done $0x0  }
0x36: {  	[sflag:s23] =	ssyncadd.s32 $0xFFFFC000  }
0x37: {  	_ =	swait.ge [sflag:s23], $0x4000  }
0x38: {  	s25 =	sadd.s32 $0xFFFFFFFF, s25;
	[sflag:s23] =	ssyncset.done $0x0  }
.LBB2_1:
0x39: {  	p0 =	sne.s32 s25, $0x1;
	s25 =	sadd.s32 $0xFFFFFFFF, s25;
	[sflag:s23] =	ssyncadd.s32 $0xFFFFC000  }
0x3a: {  	[tilespmem:s3], [sflag:$0x6] =	stream.linear.gather [hbm4b:s4+s3], $0x80, $0x38;
	[tilespmem:$0x10200] =	vst v63  }
0x3b: {  	_ =	swait.ge [sflag:s5], $0x80  }
0x3c: {  	[sflag:s5] =	ssyncset.done $0x0  }
0x3d: {  	[sflag:s5] =	ssyncadd.s32 $0xFFFFFF80  }
0x3e: {  	[tilespmem:s7], [sflag:$0x6] =	stream.linear.gather [hbm4b:s6+s3], $0x80, $0x38;
	[tilespmem:$0x10200] =	vst v63  }
0x3f: {  	_ =	swait.ge [sflag:s5], $0x80  }
0x40: {  	[sflag:s5] =	ssyncset.done $0x0  }
0x41: {  	[sflag:s5] =	ssyncadd.s32 $0xFFFFFF80  }
0x42: {  	[tilespmem:s9], [sflag:$0x6] =	stream.linear.gather [hbm4b:s8+s3], $0x80, $0x38;
	[tilespmem:$0x10200] =	vst v63  }
0x43: {  	_ =	swait.ge [sflag:s5], $0x80  }
0x44: {  	[sflag:s5] =	ssyncset.done $0x0  }
0x45: {  	[sflag:s5] =	ssyncadd.s32 $0xFFFFFF80  }
0x46: {  	[tilespmem:s11], [sflag:$0x6] =	stream.linear.gather [hbm4b:s10+s3], $0x80, $0x38;
	[tilespmem:$0x10200] =	vst v63  }
0x47: {  	_ =	swait.ge [sflag:s5], $0x80  }
0x48: {  	[sflag:s5] =	ssyncset.done $0x0  }
0x49: {  	[sflag:s5] =	ssyncadd.s32 $0xFFFFFF80  }
0x4a: {  	[tilespmem:s12], [sflag:$0x1] =	stream.indirect.gather [hbm4b:s1+s7], $0x80, s3, s7, $0xb8;
	[tilespmem:$0x10200] =	vst v63  }
0x4b: {  	_ = 	snop  }
0x4c: {  	[tilespmem:s13], [sflag:$0x2] =	stream.indirect.gather [hbm4b:s1+s7], $0x80, s7, s7, $0xb8;
	[tilespmem:$0x10200] =	vst v63  }
0x4d: {  	_ = 	snop  }
0x4e: {  	[tilespmem:s14], [sflag:$0x3] =	stream.indirect.gather [hbm4b:s1+s7], $0x80, s9, s7, $0xb8;
	[tilespmem:$0x10200] =	vst v63  }
0x4f: {  	_ = 	snop  }
0x50: {  	[tilespmem:s15], [sflag:$0x4] =	stream.indirect.gather [hbm4b:s1+s7], $0x80, s11, s7, $0xb8;
	[tilespmem:$0x10200] =	vst v63  }
0x51: {  	_ =	swait.ge [sflag:s16], $0x4000  }
0x52: {  	[sflag:s16] =	ssyncset.done $0x0  }
0x53: {  	[sflag:s16] =	ssyncadd.s32 $0xFFFFC000  }
0x54: {  	[hbm4b:s17+s3] =	stream.linear.scatter [tilespmem:s12], [sflag:$0x5], $0x4000, $0x38;
	[tilespmem:$0x10200] =	vst v63  }
0x55: {  	_ =	swait.ge [sflag:s18], $0x4000  }
0x56: {  	[sflag:s18] =	ssyncset.done $0x0  }
0x57: {  	[sflag:s18] =	ssyncadd.s32 $0xFFFFC000  }
0x58: {  	[hbm4b:s19+s3] =	stream.linear.scatter [tilespmem:s13], [sflag:$0x5], $0x4000, $0x38;
	[tilespmem:$0x10200] =	vst v63  }
0x59: {  	_ =	swait.ge [sflag:s20], $0x4000  }
0x5a: {  	[sflag:s20] =	ssyncset.done $0x0  }
0x5b: {  	[sflag:s20] =	ssyncadd.s32 $0xFFFFC000  }
0x5c: {  	[hbm4b:s21+s3] =	stream.linear.scatter [tilespmem:s14], [sflag:$0x5], $0x4000, $0x38;
	[tilespmem:$0x10200] =	vst v63  }
0x5d: {  	_ =	swait.ge [sflag:s22], $0x4000  }
0x5e: {  	[sflag:s22] =	ssyncset.done $0x0  }
0x5f: {  	[sflag:s22] =	ssyncadd.s32 $0xFFFFC000  }
0x60: {  	[hbm4b:s24+s3] =	stream.linear.scatter [tilespmem:s15], [sflag:$0x5], $0x4000, $0x38;
	[tilespmem:$0x10200] =	vst v63  }
0x61: {  	_ =	swait.ge [sflag:s23], $0x4000  }
0x62: {  	[sflag:s23] =	ssyncset.done $0x0  }
0x63: {  	[sflag:s23] =	ssyncadd.s32 $0xFFFFC000  }
0x64: {  	_ =	swait.ge [sflag:s23], $0x4000  }
0x65: {  	[sflag:s23] =	ssyncset.done $0x0  }
0x66: {  	[sflag:s23] =	ssyncadd.s32 $0xFFFFC000  }
.Ltmp1:
0x67: {  	_ =	swait.ge [sflag:s23], $0x4000;
	(pc) =	sbr.rel @p0 .LBB2_1-.Ltmp1, $4  }
0x68: {  	[sflag:s23] =	ssyncset.done $0x0  }
0x69: {  	[sflag:s23] =	ssyncadd.s32 $0xFFFFC000  }
0x6a: {  	_ =	swait.ge [sflag:s23], $0x4000  }
0x6b: {  	[sflag:s23] =	ssyncset.done $0x0  }
.LBB2_2:
0x6c: {  	[sflag:s23] =	ssyncadd.s32 $0xFFFFC000  }
0x6d: {  	_ =	sfence.sel $0x180000  }
0x6e: {  	[bflag:$0x0] =	sbarrier.arrive $0xFFFF  }
0x6f: {  	p0 =	sne.s32 s0, $0x0;
	_ =	strace $0x90000047  }
0x70: {  	s0 =	sadd.s32 @!p0 $0x100000, s2;
	[bflag:$0x2] =	sbarrier.arrive $0xFFFF  }
0x71: {  	[sflag:s0] =	ssyncadd.tile.s32 @!p0 $0x1;
	_ =	shalt  }
.Lfunc_end2:
_tile_overlayer_lowered:
.L_overlay_start_2:
0x72: {  	(tag) =	ssettag $0x2  }
0x73: {  	s0 =	rddreg [dreg:$0x0];
	s2 =	stileid.u32  }
0x74: {  	s1 =	rddreg [dreg:$0x1];
	p0 =	sne.s32 s2, $0x0  }
0x75: {  	s3 =	rddreg [dreg:$0x2];
	[bflag:$0x3] =	sbarrier.arrive $0xFFFF;
	s2 =	simm.s32 @!p0 $0x1C06  }
0x76: {  	[timem:s3], [sflag:s2] =	dma.local @!p0 [hbm:s0], s1  }
0x77: {  	s0 =	simm.s32 @!p0 $0x6  }
0x78: {  	_ =	swait.ge @!p0 [sflag:s0], s1  }
0x79: {  	s1 =	ssub.s32 @!p0 $0x0, s1;
	[sflag:s0] =	ssyncset.done @!p0 $0x0  }
0x7a: {  	[sflag:s0] =	ssyncadd.s32 @!p0 s1  }
0x7b: {  	[bflag:$0x3] =	sbarrier.arrive $0xFFFF  }
0x7c: {  	_ =	shalt  }

</sc_bundles>
